<compile_context>
chip_gen: v7x
topology: tpu7x:2x2x1
jax: 0.10.2.dev20260603
libtpu: 0.0.44.dev20260713+nightly
codegen_flags: <defaults>
</compile_context>

<pallas_src>
import functools

import jax
import jax.numpy as jnp
from jax import lax
from jax.experimental import pallas as pl
from jax.experimental.pallas import tpu as pltpu
from jax.experimental.pallas import tpu_sc as plsc

NC = 2
NS = 16
NW = NC * NS


def _sc_gather_chunk(table, tokens2d, c, n_chunks):
    V, D = table.shape
    Bt, L = tokens2d.shape
    seg = L // n_chunks
    Bc = Bt * seg
    tpw = Bc // NW
    CH = min(tpw, 128)
    n_ch = tpw // CH
    nbuf = min(n_ch, max(1, (500_000 - 4 * tpw) // (4 * CH * D)))
    mesh = plsc.VectorSubcoreMesh(core_axis_name="c", subcore_axis_name="s")

    @functools.partial(
        pl.kernel,
        mesh=mesh,
        out_type=jax.ShapeDtypeStruct((Bc, D), jnp.float32),
        scratch_types=(
            [pltpu.VMEM((tpw,), jnp.int32)]
            + [pltpu.VMEM((CH, D), jnp.float32)] * nbuf
            + [pltpu.SemaphoreType.DMA] * (2 * nbuf)
        ),
    )
    def gather_kernel(table_hbm, tok_hbm, out_hbm, idx_v, *bufs_sems):
        rows = bufs_sems[:nbuf]
        gsems = bufs_sems[nbuf:2 * nbuf]
        ssems = bufs_sems[2 * nbuf:3 * nbuf]
        wid = lax.axis_index("s") * NC + lax.axis_index("c")
        base = wid * tpw
        bi = base // seg
        col0 = c * seg + base % seg
        pltpu.sync_copy(tok_hbm.at[bi, pl.ds(col0, tpw)], idx_v)

        def start_gather(k):
            return pltpu.async_copy(
                table_hbm.at[idx_v.at[pl.ds(k * CH, CH)]], rows[k % nbuf],
                gsems[k % nbuf])

        gathers = [None] * nbuf
        stores = [None] * nbuf
        for k in range(min(nbuf, n_ch)):
            gathers[k] = start_gather(k)
        for k in range(n_ch):
            p = k % nbuf
            gathers[p].wait()
            stores[p] = pltpu.async_copy(
                rows[p], out_hbm.at[pl.ds(base + k * CH, CH)], ssems[p])
            if k + nbuf < n_ch:
                stores[p].wait()
                gathers[p] = start_gather(k + nbuf)
        for h in stores:
            if h is not None:
                h.wait()

    return gather_kernel(table, tokens2d)


def _tc_project_chunk(emb, Wb, b2, position, B, c, n_chunks, dest):
    Bc, D = emb.shape
    M = Wb.shape[0]
    L = position.shape[0]
    seg = L // n_chunks
    nb = Bc // seg

    def mm_kernel(*refs):
        emb_ref, w_ref, b_ref, pos_ref, out_ref = refs[-5:]
        acc = lax.dot_general(
            emb_ref[...].astype(jnp.bfloat16), w_ref[...],
            dimension_numbers=(((1,), (1,)), ((), ())),
            preferred_element_type=jnp.float32,
        )
        out_ref[...] = acc + b_ref[...] + pos_ref[...]

    data_specs = [
        pl.BlockSpec((seg, D), lambda k: (k, 0)),
        pl.BlockSpec((M, D), lambda k: (0, 0)),
        pl.BlockSpec((1, M), lambda k: (0, 0)),
        pl.BlockSpec((seg, M), lambda k: (c, 0)),
    ]
    if dest is None:
        in_specs, aliases, args = data_specs, {}, (emb, Wb, b2, position)
    else:
        in_specs = [pl.BlockSpec(memory_space=pl.ANY)] + data_specs
        aliases = {0: 0}
        args = (dest, emb, Wb, b2, position)

    return pl.pallas_call(
        mm_kernel,
        grid=(nb,),
        in_specs=in_specs,
        out_specs=pl.BlockSpec((seg, M), lambda k: (k * n_chunks + c, 0)),
        out_shape=jax.ShapeDtypeStruct((B, M), jnp.float32),
        input_output_aliases=aliases,
    )(*args)


def kernel(tokens, table, W, b, position):
    batch, seq = tokens.shape
    M = W.shape[0]
    B = batch * seq
    tokens2d = tokens.astype(jnp.int32)
    Wb = W.astype(jnp.bfloat16)
    b2 = b.reshape(1, M)

    n_chunks = 1
    embs = [_sc_gather_chunk(table, tokens2d, c, n_chunks)
            for c in range(n_chunks)]
    out = None
    for c in range(n_chunks):
        out = _tc_project_chunk(embs[c], Wb, b2, position, B, c, n_chunks, out)
    return out.reshape(batch, seq, M)

# --- scband reference (transcript-rebuilt; emitter-appended) ---
"""Pipeline reference for scband-embedding-44805098832231 (READ-ONLY COPY).

The authoritative reference and input builder live on the scoring server;
editing this copy changes nothing except your own understanding.
"""

import jax, jax.numpy as jnp
import numpy as np

D_VOC = 100000
D_LEN = 2048
D_MODEL = 1024
EMB_DIM = 512
BATCH = 4

def _make_position(d_len, d_model):
    pos = jnp.arange(d_len, dtype=jnp.float32)[:, None]
    i = jnp.arange(d_model, dtype=jnp.float32)[None, :]
    res = pos / jnp.power(10000.0, 2.0 * i / d_model)
    odd = (jnp.arange(d_model) % 2 == 1)[None, :]
    return jnp.where(odd, jnp.cos(res), jnp.sin(res)).astype(jnp.float32)

def setup_inputs(seed: int = 0) -> dict:
    key = jax.random.key(seed)
    k1, k2, k3 = jax.random.split(key, 3)
    tokens = jax.random.randint(k1, (BATCH, D_LEN), 0, D_VOC, dtype=jnp.int64) if jax.config.jax_enable_x64 else jax.random.randint(k1, (BATCH, D_LEN), 0, D_VOC, dtype=jnp.int32)
    table = jax.random.normal(k2, (D_VOC, EMB_DIM), dtype=jnp.float32)
    table = table.at[0].set(0.0)  # padding_idx=0
    bound = 1.0 / np.sqrt(EMB_DIM)
    W = jax.random.uniform(k3, (D_MODEL, EMB_DIM), minval=-bound, maxval=bound, dtype=jnp.float32)
    b = jnp.zeros((D_MODEL,), dtype=jnp.float32)
    position = _make_position(D_LEN, D_MODEL)
    return {"tokens": tokens, "table": table, "W": W, "b": b, "position": position}

def reference(tokens, table, W, b, position):
    emb = jnp.take(table, tokens, axis=0)          # [B, L, 512] gather
    out = jnp.einsum('bld,md->blm', emb, W) + b    # linear 512 -> d_model
    out = out + position                           # [L, d_model] broadcast over batch
    return out

if __name__ == "__main__":
    import jax
    _d = setup_inputs()
    print(jax.jit(kernel)(*tuple(_d.values())))

</pallas_src>

<mosaic_0001>
#map = affine_map<(d0, d1) -> (0, 0)>
module attributes {stable_mosaic.version = 14 : i64} {
  func.func @gather_kernel(%arg0: i32, %arg1: i32, %arg2: memref<100000x512xf32, #tpu.memory_space<hbm>>, %arg3: memref<4x2048xi32, #tpu.memory_space<hbm>>, %arg4: memref<8192x512xf32, #tpu.memory_space<hbm>>, %arg5: memref<256xi32, #tpu.memory_space<vmem>>, %arg6: memref<128x512xf32, #tpu.memory_space<vmem>>, %arg7: memref<!tpu.dma_semaphore, #tpu.memory_space<semaphore_mem>>, %arg8: memref<!tpu.dma_semaphore, #tpu.memory_space<semaphore_mem>>) attributes {dimension_semantics = [#tpu.dimension_semantics<core_parallel>, #tpu.dimension_semantics<subcore_parallel>], iteration_bounds = array<i64: 2, 16>, scalar_prefetch = 0 : i64, scratch_operands = 4 : i64, tpu.core_type = #tpu.core_type<sc_vector_subcore>, window_params = [{transform_indices = #map}, {transform_indices = #map}, {transform_indices = #map}]} {
    %mul3A = arith.constant 2 : i32
    %mul3A_0 = arith.muli %arg1, %mul3A : i32
    %add3A = arith.addi %mul3A_0, %arg0 : i32
    %mul3A_1 = arith.constant 256 : i32
    %mul3A_2 = arith.muli %add3A, %mul3A_1 : i32
    %jit3A = arith.constant 2048 : i32
    %div3A = arith.divsi %mul3A_2, %jit3A : i32
    %sign3A = arith.constant 0 : i32
    %sign3A_3 = arith.cmpi sgt, %mul3A_2, %sign3A : i32
    %sign3A_4 = arith.extui %sign3A_3 : i1 to i32
    %sign3A_5 = arith.constant 0 : i32
    %sign3A_6 = arith.cmpi slt, %mul3A_2, %sign3A_5 : i32
    %sign3A_7 = arith.extui %sign3A_6 : i1 to i32
    %sign3A_8 = arith.subi %sign3A_4, %sign3A_7 : i32
    %sign3A_9 = arith.constant 0 : i32
    %sign3A_10 = arith.cmpi sgt, %jit3A, %sign3A_9 : i32
    %sign3A_11 = arith.extui %sign3A_10 : i1 to i32
    %sign3A_12 = arith.constant 0 : i32
    %sign3A_13 = arith.cmpi slt, %jit3A, %sign3A_12 : i32
    %sign3A_14 = arith.extui %sign3A_13 : i1 to i32
    %sign3A_15 = arith.subi %sign3A_11, %sign3A_14 : i32
    %ne3A = arith.cmpi ne, %sign3A_8, %sign3A_15 : i32
    %rem3A = arith.remsi %mul3A_2, %jit3A : i32
    %ne3A_16 = arith.constant 0 : i32
    %ne3A_17 = arith.cmpi ne, %rem3A, %ne3A_16 : i32
    %and3A = arith.andi %ne3A, %ne3A_17 : i1
    %sub3A = arith.constant 1 : i32
    %sub3A_18 = arith.subi %div3A, %sub3A : i32
    %select_n3A = arith.select %and3A, %sub3A_18, %div3A : i32
    %jit3A_19 = arith.constant 2048 : i32
    %eq3A = arith.constant 0 : i32
    %eq3A_20 = arith.cmpi eq, %jit3A_19, %eq3A : i32
    %jit3A_21 = arith.constant 1 : i32
    %select_n3A_22 = arith.select %eq3A_20, %jit3A_21, %jit3A_19 : i32
    %rem3A_23 = arith.remsi %mul3A_2, %select_n3A_22 : i32
    %ne3A_24 = arith.constant 0 : i32
    %ne3A_25 = arith.cmpi ne, %rem3A_23, %ne3A_24 : i32
    %lt3A = arith.constant 0 : i32
    %lt3A_26 = arith.cmpi slt, %rem3A_23, %lt3A : i32
    %lt3A_27 = arith.constant 0 : i32
    %lt3A_28 = arith.cmpi slt, %select_n3A_22, %lt3A_27 : i32
    %ne3A_29 = arith.xori %lt3A_26, %lt3A_28 : i1
    %and3A_30 = arith.andi %ne3A_29, %ne3A_25 : i1
    %add3A_31 = arith.addi %rem3A_23, %select_n3A_22 : i32
    %select_n3A_32 = arith.select %and3A_30, %add3A_31, %rem3A_23 : i32
    %add3A_33 = arith.constant 0 : i32
    %add3A_34 = arith.addi %add3A_33, %select_n3A_32 : i32
    "tpu.region"() ({
      %run_scoped3A = tpu.sem_alloc : memref<!tpu.dma_semaphore, #tpu.memory_space<semaphore_mem>>
      %dma_start3A_73 = tpu.memref_slice %arg3[%select_n3A, %add3A_34] : memref<4x2048xi32, #tpu.memory_space<hbm>> -> memref<1x256xi32, #tpu.memory_space<hbm>>
      %dma_start3A_74 = tpu.memref_squeeze %dma_start3A_73 : memref<1x256xi32, #tpu.memory_space<hbm>> -> memref<256xi32, #tpu.memory_space<hbm>>
      %dma_start3A_75 = tpu.memref_slice %arg3[%select_n3A, %add3A_34] : memref<4x2048xi32, #tpu.memory_space<hbm>> -> memref<1x256xi32, #tpu.memory_space<hbm>>
      %dma_start3A_76 = tpu.memref_squeeze %dma_start3A_75 : memref<1x256xi32, #tpu.memory_space<hbm>> -> memref<256xi32, #tpu.memory_space<hbm>>
      tpu.enqueue_dma source(%dma_start3A_76 : memref<256xi32, #tpu.memory_space<hbm>>) target(%arg5 : memref<256xi32, #tpu.memory_space<vmem>>) target_semaphore(%run_scoped3A : memref<!tpu.dma_semaphore, #tpu.memory_space<semaphore_mem>>)
      %dma_wait3A_77 = tpu.memref_slice %arg3[%select_n3A, %add3A_34] : memref<4x2048xi32, #tpu.memory_space<hbm>> -> memref<1x256xi32, #tpu.memory_space<hbm>>
      %dma_wait3A_78 = tpu.memref_squeeze %dma_wait3A_77 : memref<1x256xi32, #tpu.memory_space<hbm>> -> memref<256xi32, #tpu.memory_space<hbm>>
      %dma_wait3A_79 = tpu.memref_slice %arg3[%select_n3A, %add3A_34] : memref<4x2048xi32, #tpu.memory_space<hbm>> -> memref<1x256xi32, #tpu.memory_space<hbm>>
      %dma_wait3A_80 = tpu.memref_squeeze %dma_wait3A_79 : memref<1x256xi32, #tpu.memory_space<hbm>> -> memref<256xi32, #tpu.memory_space<hbm>>
      tpu.wait_dma2 semaphore(%run_scoped3A : memref<!tpu.dma_semaphore, #tpu.memory_space<semaphore_mem>>) src(%dma_wait3A_80 : memref<256xi32, #tpu.memory_space<hbm>>) dst(%arg5 : memref<256xi32, #tpu.memory_space<vmem>>)
      tpu.yield
    }) : () -> ()
    %dma_start3A = arith.constant 0 : i32
    %dma_start3A_35 = tpu.memref_slice %arg5[%dma_start3A] : memref<256xi32, #tpu.memory_space<vmem>> -> memref<128xi32, #tpu.memory_space<vmem>>
    %dma_start3A_36 = arith.constant 0 : i32
    %dma_start3A_37 = arith.constant 0 : i32
    %dma_start3A_38 = tpu.memref_slice %arg2[%dma_start3A_36, %dma_start3A_37] : memref<100000x512xf32, #tpu.memory_space<hbm>> -> memref<100000x512xf32, #tpu.memory_space<hbm>>
    tpu.enqueue_indirect_dma source(%dma_start3A_38 : memref<100000x512xf32, #tpu.memory_space<hbm>>) target(%arg6 : memref<128x512xf32, #tpu.memory_space<vmem>>) offsets(%dma_start3A_35 : memref<128xi32, #tpu.memory_space<vmem>>) semaphore(%arg7 : memref<!tpu.dma_semaphore, #tpu.memory_space<semaphore_mem>>)
    %dma_wait3A = arith.constant 0 : i32
    %dma_wait3A_39 = tpu.memref_slice %arg5[%dma_wait3A] : memref<256xi32, #tpu.memory_space<vmem>> -> memref<128xi32, #tpu.memory_space<vmem>>
    %dma_wait3A_40 = arith.constant 0 : i32
    %dma_wait3A_41 = arith.constant 0 : i32
    %dma_wait3A_42 = tpu.memref_slice %arg2[%dma_wait3A_40, %dma_wait3A_41] : memref<100000x512xf32, #tpu.memory_space<hbm>> -> memref<100000x512xf32, #tpu.memory_space<hbm>>
    tpu.wait_indirect_dma semaphore(%arg7 : memref<!tpu.dma_semaphore, #tpu.memory_space<semaphore_mem>>) src(%dma_wait3A_42 : memref<100000x512xf32, #tpu.memory_space<hbm>>) dst(%arg6 : memref<128x512xf32, #tpu.memory_space<vmem>>)
    %add3A_43 = arith.constant 0 : i32
    %add3A_44 = arith.addi %mul3A_2, %add3A_43 : i32
    %dma_start3A_45 = arith.constant 0 : i32
    %dma_start3A_46 = tpu.memref_slice %arg4[%add3A_44, %dma_start3A_45] : memref<8192x512xf32, #tpu.memory_space<hbm>> -> memref<128x512xf32, #tpu.memory_space<hbm>>
    %dma_start3A_47 = arith.constant 0 : i32
    %dma_start3A_48 = tpu.memref_slice %arg4[%add3A_44, %dma_start3A_47] : memref<8192x512xf32, #tpu.memory_space<hbm>> -> memref<128x512xf32, #tpu.memory_space<hbm>>
    tpu.enqueue_dma source(%arg6 : memref<128x512xf32, #tpu.memory_space<vmem>>) target(%dma_start3A_48 : memref<128x512xf32, #tpu.memory_space<hbm>>) target_semaphore(%arg8 : memref<!tpu.dma_semaphore, #tpu.memory_space<semaphore_mem>>)
    %dma_wait3A_49 = arith.constant 0 : i32
    %dma_wait3A_50 = tpu.memref_slice %arg4[%add3A_44, %dma_wait3A_49] : memref<8192x512xf32, #tpu.memory_space<hbm>> -> memref<128x512xf32, #tpu.memory_space<hbm>>
    %dma_wait3A_51 = arith.constant 0 : i32
    %dma_wait3A_52 = tpu.memref_slice %arg4[%add3A_44, %dma_wait3A_51] : memref<8192x512xf32, #tpu.memory_space<hbm>> -> memref<128x512xf32, #tpu.memory_space<hbm>>
    tpu.wait_dma2 semaphore(%arg8 : memref<!tpu.dma_semaphore, #tpu.memory_space<semaphore_mem>>) src(%arg6 : memref<128x512xf32, #tpu.memory_space<vmem>>) dst(%dma_wait3A_52 : memref<128x512xf32, #tpu.memory_space<hbm>>)
    %dma_start3A_53 = arith.constant 128 : i32
    %dma_start3A_54 = tpu.memref_slice %arg5[%dma_start3A_53] : memref<256xi32, #tpu.memory_space<vmem>> -> memref<128xi32, #tpu.memory_space<vmem>>
    %dma_start3A_55 = arith.constant 0 : i32
    %dma_start3A_56 = arith.constant 0 : i32
    %dma_start3A_57 = tpu.memref_slice %arg2[%dma_start3A_55, %dma_start3A_56] : memref<100000x512xf32, #tpu.memory_space<hbm>> -> memref<100000x512xf32, #tpu.memory_space<hbm>>
    tpu.enqueue_indirect_dma source(%dma_start3A_57 : memref<100000x512xf32, #tpu.memory_space<hbm>>) target(%arg6 : memref<128x512xf32, #tpu.memory_space<vmem>>) offsets(%dma_start3A_54 : memref<128xi32, #tpu.memory_space<vmem>>) semaphore(%arg7 : memref<!tpu.dma_semaphore, #tpu.memory_space<semaphore_mem>>)
    %dma_wait3A_58 = arith.constant 128 : i32
    %dma_wait3A_59 = tpu.memref_slice %arg5[%dma_wait3A_58] : memref<256xi32, #tpu.memory_space<vmem>> -> memref<128xi32, #tpu.memory_space<vmem>>
    %dma_wait3A_60 = arith.constant 0 : i32
    %dma_wait3A_61 = arith.constant 0 : i32
    %dma_wait3A_62 = tpu.memref_slice %arg2[%dma_wait3A_60, %dma_wait3A_61] : memref<100000x512xf32, #tpu.memory_space<hbm>> -> memref<100000x512xf32, #tpu.memory_space<hbm>>
    tpu.wait_indirect_dma semaphore(%arg7 : memref<!tpu.dma_semaphore, #tpu.memory_space<semaphore_mem>>) src(%dma_wait3A_62 : memref<100000x512xf32, #tpu.memory_space<hbm>>) dst(%arg6 : memref<128x512xf32, #tpu.memory_space<vmem>>)
    %add3A_63 = arith.constant 128 : i32
    %add3A_64 = arith.addi %mul3A_2, %add3A_63 : i32
    %dma_start3A_65 = arith.constant 0 : i32
    %dma_start3A_66 = tpu.memref_slice %arg4[%add3A_64, %dma_start3A_65] : memref<8192x512xf32, #tpu.memory_space<hbm>> -> memref<128x512xf32, #tpu.memory_space<hbm>>
    %dma_start3A_67 = arith.constant 0 : i32
    %dma_start3A_68 = tpu.memref_slice %arg4[%add3A_64, %dma_start3A_67] : memref<8192x512xf32, #tpu.memory_space<hbm>> -> memref<128x512xf32, #tpu.memory_space<hbm>>
    tpu.enqueue_dma source(%arg6 : memref<128x512xf32, #tpu.memory_space<vmem>>) target(%dma_start3A_68 : memref<128x512xf32, #tpu.memory_space<hbm>>) target_semaphore(%arg8 : memref<!tpu.dma_semaphore, #tpu.memory_space<semaphore_mem>>)
    %dma_wait3A_69 = arith.constant 0 : i32
    %dma_wait3A_70 = tpu.memref_slice %arg4[%add3A_64, %dma_wait3A_69] : memref<8192x512xf32, #tpu.memory_space<hbm>> -> memref<128x512xf32, #tpu.memory_space<hbm>>
    %dma_wait3A_71 = arith.constant 0 : i32
    %dma_wait3A_72 = tpu.memref_slice %arg4[%add3A_64, %dma_wait3A_71] : memref<8192x512xf32, #tpu.memory_space<hbm>> -> memref<128x512xf32, #tpu.memory_space<hbm>>
    tpu.wait_dma2 semaphore(%arg8 : memref<!tpu.dma_semaphore, #tpu.memory_space<semaphore_mem>>) src(%arg6 : memref<128x512xf32, #tpu.memory_space<vmem>>) dst(%dma_wait3A_72 : memref<128x512xf32, #tpu.memory_space<hbm>>)
    return
  }
}

module attributes {stable_mosaic.version = 14 : i64} {
  func.func @mm_kernel(%arg0: i32, %arg1: memref<2048x512xf32, #tpu.memory_space<vmem>>, %arg2: memref<1024x512xbf16, #tpu.memory_space<vmem>>, %arg3: memref<1x1024xf32, #tpu.memory_space<vmem>>, %arg4: memref<2048x1024xf32, #tpu.memory_space<vmem>>, %arg5: memref<2048x1024xf32, #tpu.memory_space<vmem>>) attributes {dimension_semantics = [#tpu.dimension_semantics<arbitrary>], iteration_bounds = array<i64: 4>, scalar_prefetch = 0 : i64, scratch_operands = 0 : i64, tpu.core_type = #tpu.core_type<tc>, window_params = [{transform_indices = @transform_0, window_bounds = array<i64: 2048, 512>}, {pipeline_mode = #tpu.pipeline_mode<synchronous>, transform_indices = @transform_1, window_bounds = array<i64: 1024, 512>}, {pipeline_mode = #tpu.pipeline_mode<synchronous>, transform_indices = @transform_2, window_bounds = array<i64: 1, 1024>}, {pipeline_mode = #tpu.pipeline_mode<synchronous>, transform_indices = @transform_3, window_bounds = array<i64: 2048, 1024>}, {transform_indices = @transform_4, window_bounds = array<i64: 2048, 1024>}]} {
    %get3A = arith.constant 0 : index
    %get3A_0 = arith.constant 0 : index
    %get3A_1 = vector.load %arg1[%get3A, %get3A_0] : memref<2048x512xf32, #tpu.memory_space<vmem>>, vector<2048x512xf32>
    %convert_element_type3A = arith.truncf %get3A_1 : vector<2048x512xf32> to vector<2048x512xbf16>
    %get3A_2 = arith.constant 0 : index
    %get3A_3 = arith.constant 0 : index
    %get3A_4 = vector.load %arg2[%get3A_2, %get3A_3] : memref<1024x512xbf16, #tpu.memory_space<vmem>>, vector<1024x512xbf16>
    %dot_general3A = arith.constant dense<0.000000e+00> : vector<2048x1024xf32>
    %dot_general3A_5 = tpu.matmul %convert_element_type3A, %get3A_4, %dot_general3A {dimension_numbers = #tpu.dot_dimension_numbers<[1], [1], [0], [0], [0, 0, 1, 0], [], []>, transpose_lhs_hint = false} : vector<2048x512xbf16>, vector<1024x512xbf16>, vector<2048x1024xf32> -> vector<2048x1024xf32>
    %get3A_6 = arith.constant 0 : index
    %get3A_7 = arith.constant 0 : index
    %get3A_8 = vector.load %arg3[%get3A_6, %get3A_7] : memref<1x1024xf32, #tpu.memory_space<vmem>>, vector<1x1024xf32>
    %add3A = vector.broadcast %get3A_8 : vector<1x1024xf32> to vector<2048x1024xf32>
    %add3A_9 = arith.addf %dot_general3A_5, %add3A : vector<2048x1024xf32>
    %get3A_10 = arith.constant 0 : index
    %get3A_11 = arith.constant 0 : index
    %get3A_12 = vector.load %arg4[%get3A_10, %get3A_11] : memref<2048x1024xf32, #tpu.memory_space<vmem>>, vector<2048x1024xf32>
    %add3A_13 = arith.addf %add3A_9, %get3A_12 : vector<2048x1024xf32>
    %swap3A = arith.constant 0 : index
    %swap3A_14 = arith.constant 0 : index
    %swap3A_15 = vector.load %arg5[%swap3A, %swap3A_14] : memref<2048x1024xf32, #tpu.memory_space<vmem>>, vector<2048x1024xf32>
    tpu.vector_store %arg5[%swap3A, %swap3A_14], %add3A_13 {strides = array<i32>} : memref<2048x1024xf32, #tpu.memory_space<vmem>>, vector<2048x1024xf32>,
    return
  }
  func.func @transform_0(%arg0: i32) -> (i32, i32) {
    %c0_i32 = arith.constant 0 : i32
    %c0_i32_0 = arith.constant 0 : i32
    return %arg0, %c0_i32 : i32, i32
  }
  func.func @transform_1(%arg0: i32) -> (i32, i32) {
    %c0_i32 = arith.constant 0 : i32
    %c0_i32_0 = arith.constant 0 : i32
    %c0_i32_1 = arith.constant 0 : i32
    return %c0_i32, %c0_i32_0 : i32, i32
  }
  func.func @transform_2(%arg0: i32) -> (i32, i32) {
    %c0_i32 = arith.constant 0 : i32
    %c0_i32_0 = arith.constant 0 : i32
    %c0_i32_1 = arith.constant 0 : i32
    return %c0_i32, %c0_i32_0 : i32, i32
  }
  func.func @transform_3(%arg0: i32) -> (i32, i32) {
    %c0_i32 = arith.constant 0 : i32
    %c0_i32_0 = arith.constant 0 : i32
    %c0_i32_1 = arith.constant 0 : i32
    return %c0_i32, %c0_i32_0 : i32, i32
  }
  func.func @transform_4(%arg0: i32) -> (i32, i32) {
    %mul3A = arith.constant 1 : i32
    %mul3A_0 = arith.muli %arg0, %mul3A : i32
    %add3A = arith.constant 0 : i32
    %add3A_1 = arith.addi %mul3A_0, %add3A : i32
    %c0_i32 = arith.constant 0 : i32
    %c0_i32_2 = arith.constant 0 : i32
    return %add3A_1, %c0_i32 : i32, i32
  }
}

</mosaic_0001>

<sc_bundles>
// kernel: kernel.4.cloned.1.call-start
scs
__scs_entry_jumppad:
0x0: {  	(pc) =	sbr.rel $0x88, $3  }
0x1: {  	(tag) =	ssettag $0x0;
	lr =	simm.s32 $0x1  }
0x2: {  	[smem:$0x3F9C] =	sst lr;
	_ =	strace $0xD0000000  }
0x3: {  	_ = 	snop  }
0x4: {  	_ = 	snop  }
0x5: {  	_ = 	snop  }
0x6: {  	_ = 	snop  }
0x7: {  	_ = 	snop  }
__scs_overlays_trampoline_lowered:
0x8: {  	[smem:$0x3FAB] =	sst s0  }
0x9: {  	[smem:$0x3FAC] =	sst s1  }
0xa: {  	[smem:$0x3FAD] =	sst s2  }
0xb: {  	[smem:$0x3FAE] =	sst s3  }
0xc: {  	[smem:$0x3FAF] =	sst s4  }
0xd: {  	[smem:$0x3FB0] =	sst s5  }
0xe: {  	[smem:$0x3FB1] =	sst s6  }
0xf: {  	[smem:$0x3FB2] =	sst s7  }
0x10: {  	[smem:$0x3FB3] =	sst s8  }
0x11: {  	[smem:$0x3FB4] =	sst s9;
	s0 =	simm.s32 @!p0 $0x0  }
0x12: {  	s1 =	sld [smem:$0x3F9A];
	s0 =	simm.s32 @p0 $0x1  }
0x13: {  	[smem:$0x3FB5] =	sst s0;
	s0 =	simm.s32 @!p1 $0x0  }
0x14: {  	s2 =	sld [smem:$0x3F99];
	s0 =	simm.s32 @p1 $0x1  }
0x15: {  	[smem:$0x3FB6] =	sst s0;
	s0 =	simm.s32 @!p2 $0x0  }
0x16: {  	s3 =	sld [smem:$0x3FDB];
	s0 =	simm.s32 @p2 $0x1  }
0x17: {  	s4 =	simm.s32 $0x1BF5;
	[smem:$0x3FB8] =	sst s0  }
0x18: {  	s0 =	sld [smem:$0x3F9B];
	_ =	swait.ge [sflag:s4], $0x0  }
0x19: {  	s7 =	sld [smem:$0x3F9C]  }
0x1a: {  	s8 =	sadd.s32 $0xFFFFE003, lr  }
0x1b: {  	s9 =	sadd.s32 $0xFFFFFEF7, lr;
	s5 =	simm.s32 $0xFFFFFFFF;
	p2 =	slt.u32 s8, $0xFFFFF086  }
0x1c: {  	p1 =	slt.u32 s9, $0xF7A;
	s5 =	simm.s32 @!p2 $0x0  }
0x1d: {  	s5 =	simm.s32 @p1 $0x1;
	p0 =	seq.s32 s7, s2  }
0x1e: {  	s7 =	smul.u32 @!p0 $0xF7A, s2;
	p2 =	seq.s32 @!p0 s5, $0x0  }
0x1f: {  	s9 =	smul.u32 $0xF7A, s1;
	s8 =	simm.s32 @!p0 $0x1BF5;
	p2 =	por !p2, p0  }
0x20: {  	[sflag:s8] =	ssyncset.s32 @!p0 $0xFFFFF086;
	s6 =	sadd.s32 @!p0 s3, s7;
	s7 =	simm.s32 @!p0 $0x108  }
0x21: {  	s3 =	sadd.s32 s3, s9;
	s6 =	sadd.s32 @!p0 $0x88, s6;
	s7 =	simm.s32 @p2 $0x1082  }
0x22: {  	[simem:s7], [sflag:s8] =	dma.local @!p0 [hbm:s6], $0xF7A  }
0x23: {  	s9 =	sor.u32 $0xD0000000, s2;
	s6 =	simm.s32 $0x108;
	_ =	swait.ge @!p0 [sflag:s8], $0x0  }
0x24: {  	s3 =	sadd.s32 $0x88, s3;
	s6 =	simm.s32 @!p1 $0x1082;
	[sflag:s4] =	ssyncset.s32 $0xFFFFF086  }
0x25: {  	[simem:s6], [sflag:s4] =	dma.local [hbm:s3], $0xF7A  }
0x26: {  	[smem:$0x3F9C] =	sst s1;
	(tag) =	ssettag s2;
	_ =	strace s9  }
0x27: {  	s1 =	sld [smem:$0x3FAC]  }
0x28: {  	s2 =	sld [smem:$0x3FAD]  }
0x29: {  	s4 =	sld [smem:$0x3FAF]  }
0x2a: {  	p0 =	seq.s32 s5, $0x0;
	s5 =	sld [smem:$0x3FB0]  }
0x2b: {  	s6 =	sld [smem:$0x3FB1]  }
0x2c: {  	s7 =	sld [smem:$0x3FB2]  }
0x2d: {  	s3 =	simm.s32 $0x108;
	s8 =	sld [smem:$0x3FB3]  }
0x2e: {  	s3 =	simm.s32 @!p0 $0x1082;
	s9 =	sld [smem:$0x3FB4]  }
0x2f: {  	lr =	sadd.s32 s0, s3;
	s0 =	sld [smem:$0x3FAB]  }
0x30: {  	s3 =	sld [smem:$0x3FAE]  }
0x31: {  	[smem:$0x3FB7] =	sst s10  }
0x32: {  	s10 =	sld [smem:$0x3FB5];
	_ =	sdelay $0x3  }
0x33: {  	p0 =	seq.s32 s10, $0x1;
	s10 =	sld [smem:$0x3FB7];
	_ =	sdelay $0x3  }
0x34: {  	[smem:$0x3FB7] =	sst s10  }
0x35: {  	s10 =	sld [smem:$0x3FB6];
	_ =	sdelay $0x3  }
0x36: {  	p1 =	seq.s32 s10, $0x1;
	s10 =	sld [smem:$0x3FB7];
	_ =	sdelay $0x3  }
0x37: {  	[smem:$0x3FB7] =	sst s10  }
0x38: {  	s10 =	sld [smem:$0x3FB8]  }
0x39: {  	_ = 	snop;
	(pc) =	sbr.ind lr, $3  }
0x3a: {  	_ = 	snop  }
0x3b: {  	_ = 	snop  }
0x3c: {  	p2 =	seq.s32 s10, $0x1;
	s10 =	sld [smem:$0x3FB7]  }
0x3d: {  	_ =	shalt  }
0x3e: {  	_ =	shalt  }
0x3f: {  	_ =	shalt  }
0x40: {  	_ =	shalt  }
0x41: {  	_ =	shalt  }
0x42: {  	_ =	shalt  }
0x43: {  	_ =	shalt  }
0x44: {  	_ =	shalt  }
0x45: {  	_ =	shalt  }
0x46: {  	_ =	shalt  }
0x47: {  	_ =	shalt  }
0x48: {  	_ =	shalt  }
0x49: {  	_ =	shalt  }
0x4a: {  	_ =	shalt  }
0x4b: {  	_ =	shalt  }
0x4c: {  	_ =	shalt  }
0x4d: {  	_ =	shalt  }
0x4e: {  	_ =	shalt  }
0x4f: {  	_ =	shalt  }
0x50: {  	_ =	shalt  }
0x51: {  	_ =	shalt  }
0x52: {  	_ =	shalt  }
0x53: {  	_ =	shalt  }
0x54: {  	_ =	shalt  }
0x55: {  	_ =	shalt  }
0x56: {  	_ =	shalt  }
0x57: {  	_ =	shalt  }
0x58: {  	_ =	shalt  }
0x59: {  	_ =	shalt  }
0x5a: {  	_ =	shalt  }
0x5b: {  	_ =	shalt  }
0x5c: {  	_ =	shalt  }
0x5d: {  	_ =	shalt  }
0x5e: {  	_ =	shalt  }
0x5f: {  	_ =	shalt  }
0x60: {  	_ =	shalt  }
0x61: {  	_ =	shalt  }
0x62: {  	_ =	shalt  }
0x63: {  	_ =	shalt  }
0x64: {  	_ =	shalt  }
0x65: {  	_ =	shalt  }
0x66: {  	_ =	shalt  }
0x67: {  	_ =	shalt  }
0x68: {  	_ =	shalt  }
0x69: {  	_ =	shalt  }
0x6a: {  	_ =	shalt  }
0x6b: {  	_ =	shalt  }
0x6c: {  	_ =	shalt  }
0x6d: {  	_ =	shalt  }
0x6e: {  	_ =	shalt  }
0x6f: {  	_ =	shalt  }
0x70: {  	_ =	shalt  }
0x71: {  	_ =	shalt  }
0x72: {  	_ =	shalt  }
0x73: {  	_ =	shalt  }
0x74: {  	_ =	shalt  }
0x75: {  	_ =	shalt  }
0x76: {  	_ =	shalt  }
0x77: {  	_ =	shalt  }
0x78: {  	_ =	shalt  }
0x79: {  	_ =	shalt  }
0x7a: {  	_ =	shalt  }
0x7b: {  	_ =	shalt  }
0x7c: {  	_ =	shalt  }
0x7d: {  	_ =	shalt  }
0x7e: {  	_ =	shalt  }
0x7f: {  	_ =	shalt  }
0x80: {  	_ =	shalt  }
0x81: {  	_ =	shalt  }
0x82: {  	_ =	shalt  }
0x83: {  	_ =	shalt  }
0x84: {  	_ =	shalt  }
0x85: {  	_ =	shalt  }
0x86: {  	_ =	shalt  }
0x87: {  	_ =	shalt  }
.Lfunc_end0:
.L_simem_size_0:
called_computation_lowered:
.L_overlay_start_0:
0x88: {  	s2 =	sld [smem:$0x3FD9]  }
0x89: {  	s3 =	sld [smem:$0x3FFE];
	_ =	sdelay $0x1  }
0x8a: {  	s1 =	srdreg.scid  }
0x8b: {  	s0 =	sand.u32 $0x1, s1  }
0x8c: {  	s17 =	sshll.u32 s0, $0xA;
	s2 =	sadd.s32 s3, s2  }
0x8d: {  	s2 =	sadd.s32 s2, s17  }
0x8e: {  	[smem:$0x3FC3] =	sst s2  }
0x8f: {  	_ = 	snop  }
0x90: {  	s2 =	sld [smem:$0x3FC9]  }
0x91: {  	s18 =	sld [smem:$0x3FC8];
	(tm) =	ssettm $0x1  }
0x92: {  	s4 =	sld [smem:$0x3FFB];
	_ =	sdelay $0x3  }
0x93: {  	_ =	strace s4  }
0x94: {  	s4 =	sld [smem:$0x3FFC];
	_ =	sdelay $0x3  }
0x95: {  	_ =	strace s4  }
0x96: {  	s4 =	sld [smem:$0x3FFD];
	_ =	sdelay $0x3  }
0x97: {  	_ =	strace s4  }
0x98: {  	_ =	strace $0x8FFFFFFF  }
0x99: {  	s19 =	sld [smem:$0x3FDB];
	_ =	sdelay $0x1  }
0x9a: {  	s5 =	simm.s32 $_scs_section_size  }
0x9b: {  	s6 =	simm.s32 $_size__tile_overlayer_lowered;
	s7 =	simm.s32 $_tile_overlayer_lowered  }
0x9c: {  	s22 =	simm.s32 $0x1BFF;
	s21 =	sshll.u32 s7, $0x1;
	s4 =	sadd.s32 s5, s19  }
0x9d: {  	s8 =	simm.s32 $0x0;
	s20 =	sshll.u32 s6, $0x1;
	s6 =	sadd.s32 s21, s4  }
0x9e: {  	[timem:s8], [sflag:s22] =	dma.local [hbm:s6], s20  }
0x9f: {  	_ =	swait.ge [sflag:s22], s20  }
0xa0: {  	s5 =	ssub.s32 $0x0, s20;
	[sflag:s22] =	ssyncset.done $0x0  }
0xa1: {  	[sflag:s22] =	ssyncadd.s32 s5;
	_ =	sdelay $0x1  }
0xa2: {  	s23 =	simm.s32 $0x1B8B  }
0xa3: {  	_ =	swait.ge [sflag:s23], $0x1  }
0xa4: {  	[sflag:s23] =	ssyncset.done $0x0  }
0xa5: {  	s25 =	simm.s32 $0x1B8E;
	s24 =	sld [smem:$0x3FFE];
	[sflag:s23] =	ssyncadd.s32 $0xFFFFFFFF  }
0xa6: {  	s26 =	simm.s32 $execute0_lowered;
	[smem:$0x3FD2] =	sst s25  }
0xa7: {  	s6 =	sshll.u32 s26, $0x1;
	_ =	strace $0x80000046;
	[dreg:$0x1] =	wrdreg $0xFFFFFFFF  }
0xa8: {  	s28 =	simm.s32 $_size_execute0_lowered;
	s4 =	sadd.s32 s4, s6;
	[dreg:$0x0] =	wrdreg $0x0  }
0xa9: {  	s6 =	sshll.u32 s28, $0x1;
	[dreg:$0x2] =	wrdreg s4  }
0xaa: {  	[dreg:$0x3] =	wrdreg s6  }
0xab: {  	[dreg:$0x4] =	wrdreg $0xC0  }
0xac: {  	_ =	task [dreg:s8], $0x5FFFF  }
0xad: {  	[dreg:$0x1] =	wrdreg $0xFFFFFFFF  }
0xae: {  	[dreg:$0x0] =	wrdreg $0x60  }
0xaf: {  	[dreg:$0x2] =	wrdreg s18  }
0xb0: {  	[dreg:$0x3] =	wrdreg s2  }
0xb1: {  	[dreg:$0x4] =	wrdreg s24  }
0xb2: {  	[dreg:$0x5] =	wrdreg $0x9  }
0xb3: {  	_ =	task.clear_ibuf [dreg:s8], $0x6FFFF;
	_ =	strace $0x90000046  }
0xb4: {  	s29 =	simm.s32 $0x9;
	_ =	strace $0x80000048  }
0xb5: {  	_ =	swait.ge [sflag:s29], $0x1  }
0xb6: {  	[sflag:s29] =	ssyncadd.s32 $0xFFFFFFFF  }
0xb7: {  	_ =	strace $0x90000048  }
0xb8: {  	_ =	sfence  }
0xb9: {  	s30 =	sld [smem:$0x0];
	_ =	sdelay $0x2  }
0xba: {  	s31 =	sshll.u32 s1, $0xD;
	s1 =	sshrl.u32 s1, $0x2  }
0xbb: {  	s3 =	sand.u32 $0x4000, s31;
	s1 =	sadd.s32 s1, s30  }
0xbc: {  	s0 =	sor.u32 s3, s0;
	s1 =	sshll.u32 s1, $0x11  }
0xbd: {  	s0 =	sor.u32 s1, s0  }
0xbe: {  	s0 =	sadd.s32 $0x8F2B, s0  }
0xbf: {  	[sflag:s0] =	ssyncadd.remote.s32 $0x1  }
0xc0: {  	_ =	sfence.sel $0xFFFF  }
0xc1: {  	[dreg:$0x0] =	wrdreg $0xFFFFFFFF;
	(pc) =	sbr.abs _section_cstart, $3  }
0xc2: {  	[dreg:$0x1] =	wrdreg $0xFFFFFFFF  }
0xc3: {  	_ =	task.clear_ibuf [dreg:s8], $0x2FFFF;
	_ =	strace $0x9FFFFFFF  }
0xc4: {  	(tm) =	ssettm $0x7FFFFFFF  }
0xc5: {  	_ =	shalt  }
tec
execute0_lowered:
.L_overlay_start_1:
0x0: {  	(tag) =	ssettag $0x1  }
0x1: {  	s1 =	rddreg [dreg:$0x0]  }
0x2: {  	s0 =	srdreg.scid;
	s4 =	rddreg [dreg:$0x1]  }
0x3: {  	s7 =	stileid.u32;
	s5 =	rddreg [dreg:$0x2];
	s25 =	simm.s32 $0x80  }
0x4: {  	s26 =	simm.s32 $0x200;
	s14 =	simm.s32 $0x1;
	s15 =	simm.s32 $0x2  }
0x5: {  	s19 =	simm.s32 $0x1900;
	s20 =	simm.s32 $0x2100;
	s21 =	simm.s32 $0x2900  }
0x6: {  	s22 =	simm.s32 $0x3100;
	s28 =	simm.s32 $0x5900;
	s29 =	simm.s32 $0x6100  }
0x7: {  	s30 =	simm.s32 $0x6900;
	s31 =	simm.s32 $0x7100;
	s8 =	simm.s32 $0x8900  }
0x8: {  	s9 =	simm.s32 $0x9100;
	s10 =	simm.s32 $0x9900;
	s11 =	simm.s32 $0xA100  }
0x9: {  	s12 =	simm.s32 $0xA900;
	s13 =	simm.s32 $0xB100;
	s0 =	sand.u32 $0x1, s0  }
0xa: {  	s2 =	sshll.u32 s7, $0x9;
	s7 =	sshll.u32 s7, $0x5;
	s3 =	sshll.u32 s0, $0x8  }
0xb: {  	s0 =	ssub.s32 $0x2, s0;
	s2 =	sor.u32 s3, s2;
	s3 =	simm.s32 $0x0  }
0xc: {  	s23 =	sshrl.u32 s0, $0x1;
	s6 =	sshll.u32 s2, $0x2;
	[smem:$0x7FF] =	sst s3  }
0xd: {  	s2 =	sshll.u32 s2, $0x6;
	s0 =	ssub.s32 s0, s23;
	s23 =	simm.s32 $0x3900  }
0xe: {  	s6 =	sor.u32 s7, s6;
	_ =	strace $0x80000047;
	[dreg:$0x7] =	wrdreg s25  }
0xf: {  	s2 =	sadd.s32 s2, s5;
	s5 =	smax.u32 s0, $0x1;
	[dreg:$0x8] =	wrdreg s26  }
0x10: {  	s25 =	simm.s32 $0x4900;
	s26 =	simm.s32 $0x5100;
	s24 =	sadd.s32 $0xA00, s2  }
0x11: {  	s6 =	sand.u32 $0x1D80, s6;
	s2 =	sadd.s32 $0x2A00, s2;
	[dreg:$0x5] =	wrdreg s24  }
0x12: {  	v2 =	vlaneseq.u32;
	s7 =	simm.s32 $0xC100;
	s6 =	sshrl.u32 s6, $0x3;
	[dreg:$0x6] =	wrdreg s2  }
0x13: {  	vm0 =	vmmov $0xffff;
	v1 =	vshrl.u32 v2, $0x3;
	s24 =	simm.s32 $0x4100;
	s2 =	simm.s32 $0x7900;
	s4 =	sadd.s32 s4, s6  }
0x14: {  	v0 =	vand.u32 $0x7, v2;
	v2 =	vor.u32 $0x8, v2;
	v1 =	vmul.u32 $0x8, v1;
	s6 =	simm.s32 $0xB900;
	[dreg:$0x4] =	wrdreg s4;
	s4 =	sadd.s32 $0x100, s1  }
.LBB2_1:
0x15: {  	s16 =	rddreg [dreg:$0x4]  }
0x16: {  	s17 =	rddreg [dreg:$0x7]  }
0x17: {  	s18 =	rddreg [dreg:$0x8];
	s0 =	simm.s32 $0x3  }
0x18: {  	[tilespmem:s3], [sflag:$0x3] =	stream.strided.gather [hbm4b:s16+s17], $0x100, s18, s17, $0x38;
	[tilespmem:$0x10100] =	vst v63  }
0x19: {  	_ =	swait.ge [sflag:s0], $0x100  }
0x1a: {  	[sflag:s0] =	ssyncset.done $0x0  }
0x1b: {  	[sflag:s0] =	ssyncadd.s32 $0xFFFFFF00  }
0x1c: {  	v3 =	vld [tilespmem:$0x0];
	_ =	sdelay $0x4  }
0x1d: {  	v4 =	vshll.u32 v3, $0x2  }
0x1e: {  	v3 =	vand.u32 $0x7, v3;
	v4 =	vand.u32 $0xFFFFFFE0, v4  }
0x1f: {  	v3 =	vor.u32 v3, v4  }
0x20: {  	v4 =	vperm.xlane v3, v0;
	_ =	sdelay $0x1  }
0x21: {  	v4 =	vadd.s32 v1, v4;
	_ =	sdelay $0x1  }
0x22: {  	v3 =	vperm.xlane v3, v2;
	_ =	sdelay $0x1  }
0x23: {  	s18 =	simm.s32 $0x100;
	v3 =	vadd.s32 v1, v3  }
0x24: {  	[tilespmem:s18], [sflag:$0x1] =	stream.indirect_vreg.gather [hbm4b:s1+s3], $0x80, v4, vm0, $0xb8;
	[tilespmem:$0x10100] =	vst v63  }
0x25: {  	s17 =	simm.s32 $0x900  }
0x26: {  	[tilespmem:s17], [sflag:$0x1] =	stream.indirect_vreg.gather [hbm4b:s4+s3], $0x80, v4, vm0, $0xb8;
	[tilespmem:$0x10100] =	vst v63  }
0x27: {  	s18 =	simm.s32 $0x1100  }
0x28: {  	[tilespmem:s18], [sflag:$0x1] =	stream.indirect_vreg.gather [hbm4b:s1+s3], $0x80, v3, vm0, $0xb8;
	[tilespmem:$0x10100] =	vst v63  }
0x29: {  	_ = 	snop  }
0x2a: {  	[tilespmem:s19], [sflag:$0x1] =	stream.indirect_vreg.gather [hbm4b:s4+s3], $0x80, v3, vm0, $0xb8;
	[tilespmem:$0x10100] =	vst v63  }
0x2b: {  	v3 =	vld [tilespmem:$0x10];
	_ =	sdelay $0x4  }
0x2c: {  	v49 =	vshll.u32 v3, $0x2  }
0x2d: {  	v3 =	vand.u32 $0x7, v3;
	v4 =	vand.u32 $0xFFFFFFE0, v49  }
0x2e: {  	v3 =	vor.u32 v3, v4  }
0x2f: {  	v4 =	vperm.xlane v3, v0;
	_ =	sdelay $0x1  }
0x30: {  	v4 =	vadd.s32 v1, v4;
	_ =	sdelay $0x1  }
0x31: {  	v3 =	vperm.xlane v3, v2;
	_ =	sdelay $0x1  }
0x32: {  	v3 =	vadd.s32 v1, v3  }
0x33: {  	[tilespmem:s20], [sflag:$0x1] =	stream.indirect_vreg.gather [hbm4b:s1+s3], $0x80, v4, vm0, $0xb8;
	[tilespmem:$0x10100] =	vst v63  }
0x34: {  	_ = 	snop  }
0x35: {  	[tilespmem:s21], [sflag:$0x1] =	stream.indirect_vreg.gather [hbm4b:s4+s3], $0x80, v4, vm0, $0xb8;
	[tilespmem:$0x10100] =	vst v63  }
0x36: {  	_ = 	snop  }
0x37: {  	[tilespmem:s22], [sflag:$0x1] =	stream.indirect_vreg.gather [hbm4b:s1+s3], $0x80, v3, vm0, $0xb8;
	[tilespmem:$0x10100] =	vst v63  }
0x38: {  	_ = 	snop  }
0x39: {  	[tilespmem:s23], [sflag:$0x1] =	stream.indirect_vreg.gather [hbm4b:s4+s3], $0x80, v3, vm0, $0xb8;
	[tilespmem:$0x10100] =	vst v63  }
0x3a: {  	v3 =	vld [tilespmem:$0x20];
	_ =	sdelay $0x4  }
0x3b: {  	v50 =	vshll.u32 v3, $0x2  }
0x3c: {  	v3 =	vand.u32 $0x7, v3;
	v4 =	vand.u32 $0xFFFFFFE0, v50  }
0x3d: {  	v3 =	vor.u32 v3, v4  }
0x3e: {  	v4 =	vperm.xlane v3, v0;
	_ =	sdelay $0x1  }
0x3f: {  	v4 =	vadd.s32 v1, v4;
	_ =	sdelay $0x1  }
0x40: {  	v3 =	vperm.xlane v3, v2;
	_ =	sdelay $0x1  }
0x41: {  	v3 =	vadd.s32 v1, v3  }
0x42: {  	[tilespmem:s24], [sflag:$0x1] =	stream.indirect_vreg.gather [hbm4b:s1+s3], $0x80, v4, vm0, $0xb8;
	[tilespmem:$0x10100] =	vst v63  }
0x43: {  	_ = 	snop  }
0x44: {  	[tilespmem:s25], [sflag:$0x1] =	stream.indirect_vreg.gather [hbm4b:s4+s3], $0x80, v4, vm0, $0xb8;
	[tilespmem:$0x10100] =	vst v63  }
0x45: {  	_ = 	snop  }
0x46: {  	[tilespmem:s26], [sflag:$0x1] =	stream.indirect_vreg.gather [hbm4b:s1+s3], $0x80, v3, vm0, $0xb8;
	[tilespmem:$0x10100] =	vst v63  }
0x47: {  	_ = 	snop  }
0x48: {  	[tilespmem:s28], [sflag:$0x1] =	stream.indirect_vreg.gather [hbm4b:s4+s3], $0x80, v3, vm0, $0xb8;
	[tilespmem:$0x10100] =	vst v63  }
0x49: {  	v3 =	vld [tilespmem:$0x30];
	_ =	sdelay $0x4  }
0x4a: {  	v51 =	vshll.u32 v3, $0x2  }
0x4b: {  	v3 =	vand.u32 $0x7, v3;
	v4 =	vand.u32 $0xFFFFFFE0, v51  }
0x4c: {  	v3 =	vor.u32 v3, v4  }
0x4d: {  	v4 =	vperm.xlane v3, v0;
	_ =	sdelay $0x1  }
0x4e: {  	v4 =	vadd.s32 v1, v4;
	_ =	sdelay $0x1  }
0x4f: {  	v3 =	vperm.xlane v3, v2;
	_ =	sdelay $0x1  }
0x50: {  	v3 =	vadd.s32 v1, v3  }
0x51: {  	[tilespmem:s29], [sflag:$0x1] =	stream.indirect_vreg.gather [hbm4b:s1+s3], $0x80, v4, vm0, $0xb8;
	[tilespmem:$0x10100] =	vst v63  }
0x52: {  	_ = 	snop  }
0x53: {  	[tilespmem:s30], [sflag:$0x1] =	stream.indirect_vreg.gather [hbm4b:s4+s3], $0x80, v4, vm0, $0xb8;
	[tilespmem:$0x10100] =	vst v63  }
0x54: {  	_ = 	snop  }
0x55: {  	[tilespmem:s31], [sflag:$0x1] =	stream.indirect_vreg.gather [hbm4b:s1+s3], $0x80, v3, vm0, $0xb8;
	[tilespmem:$0x10100] =	vst v63  }
0x56: {  	_ = 	snop  }
0x57: {  	[tilespmem:s2], [sflag:$0x1] =	stream.indirect_vreg.gather [hbm4b:s4+s3], $0x80, v3, vm0, $0xb8;
	[tilespmem:$0x10100] =	vst v63  }
0x58: {  	v3 =	vld [tilespmem:$0x40];
	_ =	sdelay $0x4  }
0x59: {  	v52 =	vshll.u32 v3, $0x2  }
0x5a: {  	v3 =	vand.u32 $0x7, v3;
	v4 =	vand.u32 $0xFFFFFFE0, v52  }
0x5b: {  	v3 =	vor.u32 v3, v4  }
0x5c: {  	v4 =	vperm.xlane v3, v0;
	_ =	sdelay $0x1  }
0x5d: {  	v4 =	vadd.s32 v1, v4;
	_ =	sdelay $0x1  }
0x5e: {  	v3 =	vperm.xlane v3, v2;
	_ =	sdelay $0x1  }
0x5f: {  	s16 =	simm.s32 $0x8100;
	v3 =	vadd.s32 v1, v3  }
0x60: {  	[tilespmem:s16], [sflag:$0x1] =	stream.indirect_vreg.gather [hbm4b:s1+s3], $0x80, v4, vm0, $0xb8;
	[tilespmem:$0x10100] =	vst v63  }
0x61: {  	_ = 	snop  }
0x62: {  	[tilespmem:s8], [sflag:$0x1] =	stream.indirect_vreg.gather [hbm4b:s4+s3], $0x80, v4, vm0, $0xb8;
	[tilespmem:$0x10100] =	vst v63  }
0x63: {  	_ = 	snop  }
0x64: {  	[tilespmem:s9], [sflag:$0x1] =	stream.indirect_vreg.gather [hbm4b:s1+s3], $0x80, v3, vm0, $0xb8;
	[tilespmem:$0x10100] =	vst v63  }
0x65: {  	_ = 	snop  }
0x66: {  	[tilespmem:s10], [sflag:$0x1] =	stream.indirect_vreg.gather [hbm4b:s4+s3], $0x80, v3, vm0, $0xb8;
	[tilespmem:$0x10100] =	vst v63  }
0x67: {  	v3 =	vld [tilespmem:$0x50];
	_ =	sdelay $0x4  }
0x68: {  	v53 =	vshll.u32 v3, $0x2  }
0x69: {  	v3 =	vand.u32 $0x7, v3;
	v4 =	vand.u32 $0xFFFFFFE0, v53  }
0x6a: {  	v3 =	vor.u32 v3, v4  }
0x6b: {  	v4 =	vperm.xlane v3, v0;
	_ =	sdelay $0x1  }
0x6c: {  	v4 =	vadd.s32 v1, v4;
	_ =	sdelay $0x1  }
0x6d: {  	v3 =	vperm.xlane v3, v2;
	_ =	sdelay $0x1  }
0x6e: {  	v3 =	vadd.s32 v1, v3  }
0x6f: {  	[tilespmem:s11], [sflag:$0x1] =	stream.indirect_vreg.gather [hbm4b:s1+s3], $0x80, v4, vm0, $0xb8;
	[tilespmem:$0x10100] =	vst v63  }
0x70: {  	_ = 	snop  }
0x71: {  	[tilespmem:s12], [sflag:$0x1] =	stream.indirect_vreg.gather [hbm4b:s4+s3], $0x80, v4, vm0, $0xb8;
	[tilespmem:$0x10100] =	vst v63  }
0x72: {  	_ = 	snop  }
0x73: {  	[tilespmem:s13], [sflag:$0x1] =	stream.indirect_vreg.gather [hbm4b:s1+s3], $0x80, v3, vm0, $0xb8;
	[tilespmem:$0x10100] =	vst v63  }
0x74: {  	_ = 	snop  }
0x75: {  	[tilespmem:s6], [sflag:$0x1] =	stream.indirect_vreg.gather [hbm4b:s4+s3], $0x80, v3, vm0, $0xb8;
	[tilespmem:$0x10100] =	vst v63  }
0x76: {  	v3 =	vld [tilespmem:$0x60];
	_ =	sdelay $0x4  }
0x77: {  	v54 =	vshll.u32 v3, $0x2  }
0x78: {  	v3 =	vand.u32 $0x7, v3;
	v4 =	vand.u32 $0xFFFFFFE0, v54  }
0x79: {  	v3 =	vor.u32 v3, v4  }
0x7a: {  	v4 =	vperm.xlane v3, v0;
	_ =	sdelay $0x1  }
0x7b: {  	v4 =	vadd.s32 v1, v4;
	_ =	sdelay $0x1  }
0x7c: {  	v3 =	vperm.xlane v3, v2;
	_ =	sdelay $0x1  }
0x7d: {  	v3 =	vadd.s32 v1, v3  }
0x7e: {  	[tilespmem:s7], [sflag:$0x1] =	stream.indirect_vreg.gather [hbm4b:s1+s3], $0x80, v4, vm0, $0xb8;
	[tilespmem:$0x10100] =	vst v63  }
0x7f: {  	s16 =	simm.s32 $0xC900  }
0x80: {  	[tilespmem:s16], [sflag:$0x1] =	stream.indirect_vreg.gather [hbm4b:s4+s3], $0x80, v4, vm0, $0xb8;
	[tilespmem:$0x10100] =	vst v63  }
0x81: {  	s16 =	simm.s32 $0xD100  }
0x82: {  	[tilespmem:s16], [sflag:$0x1] =	stream.indirect_vreg.gather [hbm4b:s1+s3], $0x80, v3, vm0, $0xb8;
	[tilespmem:$0x10100] =	vst v63  }
0x83: {  	s16 =	simm.s32 $0xD900  }
0x84: {  	[tilespmem:s16], [sflag:$0x1] =	stream.indirect_vreg.gather [hbm4b:s4+s3], $0x80, v3, vm0, $0xb8;
	[tilespmem:$0x10100] =	vst v63  }
0x85: {  	v3 =	vld [tilespmem:$0x70];
	_ =	sdelay $0x4  }
0x86: {  	v55 =	vshll.u32 v3, $0x2  }
0x87: {  	v3 =	vand.u32 $0x7, v3;
	v4 =	vand.u32 $0xFFFFFFE0, v55  }
0x88: {  	v3 =	vor.u32 v3, v4  }
0x89: {  	v4 =	vperm.xlane v3, v0;
	_ =	sdelay $0x1  }
0x8a: {  	v4 =	vadd.s32 v1, v4;
	_ =	sdelay $0x1  }
0x8b: {  	v3 =	vperm.xlane v3, v2;
	_ =	sdelay $0x1  }
0x8c: {  	s16 =	simm.s32 $0xE100;
	v3 =	vadd.s32 v1, v3  }
0x8d: {  	[tilespmem:s16], [sflag:$0x1] =	stream.indirect_vreg.gather [hbm4b:s1+s3], $0x80, v4, vm0, $0xb8;
	[tilespmem:$0x10100] =	vst v63  }
0x8e: {  	s16 =	simm.s32 $0xE900  }
0x8f: {  	[tilespmem:s16], [sflag:$0x1] =	stream.indirect_vreg.gather [hbm4b:s4+s3], $0x80, v4, vm0, $0xb8;
	[tilespmem:$0x10100] =	vst v63  }
0x90: {  	s16 =	simm.s32 $0xF100  }
0x91: {  	[tilespmem:s16], [sflag:$0x1] =	stream.indirect_vreg.gather [hbm4b:s1+s3], $0x80, v3, vm0, $0xb8;
	[tilespmem:$0x10100] =	vst v63  }
0x92: {  	s16 =	simm.s32 $0xF900  }
0x93: {  	[tilespmem:s16], [sflag:$0x1] =	stream.indirect_vreg.gather [hbm4b:s4+s3], $0x80, v3, vm0, $0xb8;
	[tilespmem:$0x10100] =	vst v63  }
0x94: {  	_ =	swait.ge [sflag:s14], $0x10000  }
0x95: {  	[sflag:s14] =	ssyncset.done $0x0  }
0x96: {  	s0 =	simm.s32 $0x100;
	s16 =	rddreg [dreg:$0x5];
	[sflag:s14] =	ssyncadd.s32 $0xFFFF0000  }
0x97: {  	[hbm4b:s16+s3] =	stream.linear.scatter [tilespmem:s0], [sflag:$0x2], $0x10000, $0x38;
	[tilespmem:$0x10100] =	vst v63  }
0x98: {  	_ =	swait.ge [sflag:s15], $0x10000  }
0x99: {  	[sflag:s15] =	ssyncset.done $0x0  }
0x9a: {  	[sflag:s15] =	ssyncadd.s32 $0xFFFF0000  }
0x9b: {  	v3 =	vld [tilespmem:$0x80];
	_ =	sdelay $0x4  }
0x9c: {  	v56 =	vshll.u32 v3, $0x2  }
0x9d: {  	v3 =	vand.u32 $0x7, v3;
	v4 =	vand.u32 $0xFFFFFFE0, v56  }
0x9e: {  	v3 =	vor.u32 v3, v4  }
0x9f: {  	v4 =	vperm.xlane v3, v0;
	_ =	sdelay $0x1  }
0xa0: {  	v4 =	vadd.s32 v1, v4;
	_ =	sdelay $0x1  }
0xa1: {  	v3 =	vperm.xlane v3, v2;
	_ =	sdelay $0x1  }
0xa2: {  	v3 =	vadd.s32 v1, v3  }
0xa3: {  	[tilespmem:s0], [sflag:$0x1] =	stream.indirect_vreg.gather [hbm4b:s1+s3], $0x80, v4, vm0, $0xb8;
	[tilespmem:$0x10100] =	vst v63  }
0xa4: {  	_ = 	snop  }
0xa5: {  	[tilespmem:s17], [sflag:$0x1] =	stream.indirect_vreg.gather [hbm4b:s4+s3], $0x80, v4, vm0, $0xb8;
	[tilespmem:$0x10100] =	vst v63  }
0xa6: {  	_ = 	snop  }
0xa7: {  	[tilespmem:s18], [sflag:$0x1] =	stream.indirect_vreg.gather [hbm4b:s1+s3], $0x80, v3, vm0, $0xb8;
	[tilespmem:$0x10100] =	vst v63  }
0xa8: {  	_ = 	snop  }
0xa9: {  	[tilespmem:s19], [sflag:$0x1] =	stream.indirect_vreg.gather [hbm4b:s4+s3], $0x80, v3, vm0, $0xb8;
	[tilespmem:$0x10100] =	vst v63  }
0xaa: {  	v3 =	vld [tilespmem:$0x90];
	_ =	sdelay $0x4  }
0xab: {  	v57 =	vshll.u32 v3, $0x2  }
0xac: {  	v3 =	vand.u32 $0x7, v3;
	v4 =	vand.u32 $0xFFFFFFE0, v57  }
0xad: {  	v3 =	vor.u32 v3, v4  }
0xae: {  	v4 =	vperm.xlane v3, v0;
	_ =	sdelay $0x1  }
0xaf: {  	v4 =	vadd.s32 v1, v4;
	_ =	sdelay $0x1  }
0xb0: {  	v3 =	vperm.xlane v3, v2;
	_ =	sdelay $0x1  }
0xb1: {  	v3 =	vadd.s32 v1, v3  }
0xb2: {  	[tilespmem:s20], [sflag:$0x1] =	stream.indirect_vreg.gather [hbm4b:s1+s3], $0x80, v4, vm0, $0xb8;
	[tilespmem:$0x10100] =	vst v63  }
0xb3: {  	_ = 	snop  }
0xb4: {  	[tilespmem:s21], [sflag:$0x1] =	stream.indirect_vreg.gather [hbm4b:s4+s3], $0x80, v4, vm0, $0xb8;
	[tilespmem:$0x10100] =	vst v63  }
0xb5: {  	_ = 	snop  }
0xb6: {  	[tilespmem:s22], [sflag:$0x1] =	stream.indirect_vreg.gather [hbm4b:s1+s3], $0x80, v3, vm0, $0xb8;
	[tilespmem:$0x10100] =	vst v63  }
0xb7: {  	_ = 	snop  }
0xb8: {  	[tilespmem:s23], [sflag:$0x1] =	stream.indirect_vreg.gather [hbm4b:s4+s3], $0x80, v3, vm0, $0xb8;
	[tilespmem:$0x10100] =	vst v63  }
0xb9: {  	v3 =	vld [tilespmem:$0xA0];
	_ =	sdelay $0x4  }
0xba: {  	v58 =	vshll.u32 v3, $0x2  }
0xbb: {  	v3 =	vand.u32 $0x7, v3;
	v4 =	vand.u32 $0xFFFFFFE0, v58  }
0xbc: {  	v3 =	vor.u32 v3, v4  }
0xbd: {  	v4 =	vperm.xlane v3, v0;
	_ =	sdelay $0x1  }
0xbe: {  	v4 =	vadd.s32 v1, v4;
	_ =	sdelay $0x1  }
0xbf: {  	v3 =	vperm.xlane v3, v2;
	_ =	sdelay $0x1  }
0xc0: {  	v3 =	vadd.s32 v1, v3  }
0xc1: {  	[tilespmem:s24], [sflag:$0x1] =	stream.indirect_vreg.gather [hbm4b:s1+s3], $0x80, v4, vm0, $0xb8;
	[tilespmem:$0x10100] =	vst v63  }
0xc2: {  	_ = 	snop  }
0xc3: {  	[tilespmem:s25], [sflag:$0x1] =	stream.indirect_vreg.gather [hbm4b:s4+s3], $0x80, v4, vm0, $0xb8;
	[tilespmem:$0x10100] =	vst v63  }
0xc4: {  	_ = 	snop  }
0xc5: {  	[tilespmem:s26], [sflag:$0x1] =	stream.indirect_vreg.gather [hbm4b:s1+s3], $0x80, v3, vm0, $0xb8;
	[tilespmem:$0x10100] =	vst v63  }
0xc6: {  	_ = 	snop  }
0xc7: {  	[tilespmem:s28], [sflag:$0x1] =	stream.indirect_vreg.gather [hbm4b:s4+s3], $0x80, v3, vm0, $0xb8;
	[tilespmem:$0x10100] =	vst v63  }
0xc8: {  	v3 =	vld [tilespmem:$0xB0];
	_ =	sdelay $0x4  }
0xc9: {  	v59 =	vshll.u32 v3, $0x2  }
0xca: {  	v3 =	vand.u32 $0x7, v3;
	v4 =	vand.u32 $0xFFFFFFE0, v59  }
0xcb: {  	v3 =	vor.u32 v3, v4  }
0xcc: {  	v4 =	vperm.xlane v3, v0;
	_ =	sdelay $0x1  }
0xcd: {  	v4 =	vadd.s32 v1, v4;
	_ =	sdelay $0x1  }
0xce: {  	v3 =	vperm.xlane v3, v2;
	_ =	sdelay $0x1  }
0xcf: {  	v3 =	vadd.s32 v1, v3  }
0xd0: {  	[tilespmem:s29], [sflag:$0x1] =	stream.indirect_vreg.gather [hbm4b:s1+s3], $0x80, v4, vm0, $0xb8;
	[tilespmem:$0x10100] =	vst v63  }
0xd1: {  	_ = 	snop  }
0xd2: {  	[tilespmem:s30], [sflag:$0x1] =	stream.indirect_vreg.gather [hbm4b:s4+s3], $0x80, v4, vm0, $0xb8;
	[tilespmem:$0x10100] =	vst v63  }
0xd3: {  	_ = 	snop  }
0xd4: {  	[tilespmem:s31], [sflag:$0x1] =	stream.indirect_vreg.gather [hbm4b:s1+s3], $0x80, v3, vm0, $0xb8;
	[tilespmem:$0x10100] =	vst v63  }
0xd5: {  	_ = 	snop  }
0xd6: {  	[tilespmem:s2], [sflag:$0x1] =	stream.indirect_vreg.gather [hbm4b:s4+s3], $0x80, v3, vm0, $0xb8;
	[tilespmem:$0x10100] =	vst v63  }
0xd7: {  	v3 =	vld [tilespmem:$0xC0];
	_ =	sdelay $0x4  }
0xd8: {  	v60 =	vshll.u32 v3, $0x2  }
0xd9: {  	v3 =	vand.u32 $0x7, v3;
	v4 =	vand.u32 $0xFFFFFFE0, v60  }
0xda: {  	v3 =	vor.u32 v3, v4  }
0xdb: {  	v4 =	vperm.xlane v3, v0;
	_ =	sdelay $0x1  }
0xdc: {  	v4 =	vadd.s32 v1, v4;
	_ =	sdelay $0x1  }
0xdd: {  	v3 =	vperm.xlane v3, v2;
	_ =	sdelay $0x1  }
0xde: {  	s18 =	simm.s32 $0x8100;
	v3 =	vadd.s32 v1, v3  }
0xdf: {  	[tilespmem:s18], [sflag:$0x1] =	stream.indirect_vreg.gather [hbm4b:s1+s3], $0x80, v4, vm0, $0xb8;
	[tilespmem:$0x10100] =	vst v63  }
0xe0: {  	_ = 	snop  }
0xe1: {  	[tilespmem:s8], [sflag:$0x1] =	stream.indirect_vreg.gather [hbm4b:s4+s3], $0x80, v4, vm0, $0xb8;
	[tilespmem:$0x10100] =	vst v63  }
0xe2: {  	_ = 	snop  }
0xe3: {  	[tilespmem:s9], [sflag:$0x1] =	stream.indirect_vreg.gather [hbm4b:s1+s3], $0x80, v3, vm0, $0xb8;
	[tilespmem:$0x10100] =	vst v63  }
0xe4: {  	_ = 	snop  }
0xe5: {  	[tilespmem:s10], [sflag:$0x1] =	stream.indirect_vreg.gather [hbm4b:s4+s3], $0x80, v3, vm0, $0xb8;
	[tilespmem:$0x10100] =	vst v63  }
0xe6: {  	v3 =	vld [tilespmem:$0xD0];
	_ =	sdelay $0x4  }
0xe7: {  	v61 =	vshll.u32 v3, $0x2  }
0xe8: {  	v3 =	vand.u32 $0x7, v3;
	v4 =	vand.u32 $0xFFFFFFE0, v61  }
0xe9: {  	v3 =	vor.u32 v3, v4  }
0xea: {  	v4 =	vperm.xlane v3, v0;
	_ =	sdelay $0x1  }
0xeb: {  	v4 =	vadd.s32 v1, v4;
	_ =	sdelay $0x1  }
0xec: {  	v3 =	vperm.xlane v3, v2;
	_ =	sdelay $0x1  }
0xed: {  	v3 =	vadd.s32 v1, v3  }
0xee: {  	[tilespmem:s11], [sflag:$0x1] =	stream.indirect_vreg.gather [hbm4b:s1+s3], $0x80, v4, vm0, $0xb8;
	[tilespmem:$0x10100] =	vst v63  }
0xef: {  	_ = 	snop  }
0xf0: {  	[tilespmem:s12], [sflag:$0x1] =	stream.indirect_vreg.gather [hbm4b:s4+s3], $0x80, v4, vm0, $0xb8;
	[tilespmem:$0x10100] =	vst v63  }
0xf1: {  	_ = 	snop  }
0xf2: {  	[tilespmem:s13], [sflag:$0x1] =	stream.indirect_vreg.gather [hbm4b:s1+s3], $0x80, v3, vm0, $0xb8;
	[tilespmem:$0x10100] =	vst v63  }
0xf3: {  	_ = 	snop  }
0xf4: {  	[tilespmem:s6], [sflag:$0x1] =	stream.indirect_vreg.gather [hbm4b:s4+s3], $0x80, v3, vm0, $0xb8;
	[tilespmem:$0x10100] =	vst v63  }
0xf5: {  	v3 =	vld [tilespmem:$0xE0];
	_ =	sdelay $0x4  }
0xf6: {  	v62 =	vshll.u32 v3, $0x2  }
0xf7: {  	v3 =	vand.u32 $0x7, v3;
	v4 =	vand.u32 $0xFFFFFFE0, v62  }
0xf8: {  	v3 =	vor.u32 v3, v4  }
0xf9: {  	v4 =	vperm.xlane v3, v0;
	_ =	sdelay $0x1  }
0xfa: {  	v4 =	vadd.s32 v1, v4;
	_ =	sdelay $0x1  }
0xfb: {  	v3 =	vperm.xlane v3, v2;
	_ =	sdelay $0x1  }
0xfc: {  	v3 =	vadd.s32 v1, v3  }
0xfd: {  	[tilespmem:s7], [sflag:$0x1] =	stream.indirect_vreg.gather [hbm4b:s1+s3], $0x80, v4, vm0, $0xb8;
	[tilespmem:$0x10100] =	vst v63  }
0xfe: {  	s16 =	simm.s32 $0xC900  }
0xff: {  	[tilespmem:s16], [sflag:$0x1] =	stream.indirect_vreg.gather [hbm4b:s4+s3], $0x80, v4, vm0, $0xb8;
	[tilespmem:$0x10100] =	vst v63  }
0x100: {  	s17 =	simm.s32 $0xD100  }
0x101: {  	[tilespmem:s17], [sflag:$0x1] =	stream.indirect_vreg.gather [hbm4b:s1+s3], $0x80, v3, vm0, $0xb8;
	[tilespmem:$0x10100] =	vst v63  }
0x102: {  	s18 =	simm.s32 $0xD900  }
0x103: {  	[tilespmem:s18], [sflag:$0x1] =	stream.indirect_vreg.gather [hbm4b:s4+s3], $0x80, v3, vm0, $0xb8;
	[tilespmem:$0x10100] =	vst v63  }
0x104: {  	v3 =	vld [tilespmem:$0xF0];
	_ =	sdelay $0x4  }
0x105: {  	v63 =	vshll.u32 v3, $0x2  }
0x106: {  	v3 =	vand.u32 $0x7, v3;
	v4 =	vand.u32 $0xFFFFFFE0, v63  }
0x107: {  	v3 =	vor.u32 v3, v4  }
0x108: {  	v4 =	vperm.xlane v3, v0;
	_ =	sdelay $0x1  }
0x109: {  	v4 =	vadd.s32 v1, v4;
	_ =	sdelay $0x1  }
0x10a: {  	v3 =	vperm.xlane v3, v2;
	_ =	sdelay $0x1  }
0x10b: {  	s16 =	simm.s32 $0xE100;
	v3 =	vadd.s32 v1, v3  }
0x10c: {  	[tilespmem:s16], [sflag:$0x1] =	stream.indirect_vreg.gather [hbm4b:s1+s3], $0x80, v4, vm0, $0xb8;
	[tilespmem:$0x10100] =	vst v63  }
0x10d: {  	s17 =	simm.s32 $0xE900  }
0x10e: {  	[tilespmem:s17], [sflag:$0x1] =	stream.indirect_vreg.gather [hbm4b:s4+s3], $0x80, v4, vm0, $0xb8;
	[tilespmem:$0x10100] =	vst v63  }
0x10f: {  	s18 =	simm.s32 $0xF100  }
0x110: {  	[tilespmem:s18], [sflag:$0x1] =	stream.indirect_vreg.gather [hbm4b:s1+s3], $0x80, v3, vm0, $0xb8;
	[tilespmem:$0x10100] =	vst v63  }
0x111: {  	s16 =	simm.s32 $0xF900  }
0x112: {  	[tilespmem:s16], [sflag:$0x1] =	stream.indirect_vreg.gather [hbm4b:s4+s3], $0x80, v3, vm0, $0xb8;
	[tilespmem:$0x10100] =	vst v63  }
0x113: {  	_ =	swait.ge [sflag:s14], $0x10000  }
0x114: {  	p0 =	sne.s32 s5, $0x1;
	s18 =	simm.s32 $0x100;
	[sflag:s14] =	ssyncset.done $0x0  }
.Ltmp0:
0x115: {  	s17 =	rddreg [dreg:$0x6];
	[sflag:s14] =	ssyncadd.s32 $0xFFFF0000;
	(pc) =	sbr.rel @p0 .LBB2_1-.Ltmp0, $4  }
0x116: {  	[hbm4b:s17+s3] =	stream.linear.scatter [tilespmem:s18], [sflag:$0x2], $0x10000, $0x38;
	[tilespmem:$0x10100] =	vst v63  }
0x117: {  	_ =	swait.ge [sflag:s15], $0x10000  }
0x118: {  	[sflag:s15] =	ssyncset.done $0x0  }
0x119: {  	s5 =	sadd.s32 $0xFFFFFFFF, s5;
	[sflag:s15] =	ssyncadd.s32 $0xFFFF0000  }
0x11a: {  	_ =	sfence.sel $0x180000  }
0x11b: {  	[bflag:$0x0] =	sbarrier.arrive $0xFFFF  }
0x11c: {  	_ =	strace $0x90000047  }
0x11d: {  	s0 =	stileid.u32;
	[bflag:$0x2] =	sbarrier.arrive $0xFFFF  }
0x11e: {  	p0 =	sne.s32 s0, $0x0;
	s0 =	rddreg [dreg:$0x3]  }
0x11f: {  	s0 =	sadd.s32 @!p0 $0x100000, s0  }
0x120: {  	[sflag:s0] =	ssyncadd.tile.s32 @!p0 $0x1;
	_ =	shalt  }
.Lfunc_end2:
_tile_overlayer_lowered:
.L_overlay_start_2:
0x121: {  	(tag) =	ssettag $0x2  }
0x122: {  	s0 =	rddreg [dreg:$0x0];
	s2 =	stileid.u32  }
0x123: {  	s1 =	rddreg [dreg:$0x1];
	p0 =	sne.s32 s2, $0x0  }
0x124: {  	s3 =	rddreg [dreg:$0x2];
	[bflag:$0x3] =	sbarrier.arrive $0xFFFF;
	s2 =	simm.s32 @!p0 $0x1C03  }
0x125: {  	[timem:s3], [sflag:s2] =	dma.local @!p0 [hbm:s0], s1  }
0x126: {  	s0 =	simm.s32 @!p0 $0x3  }
0x127: {  	_ =	swait.ge @!p0 [sflag:s0], s1  }
0x128: {  	s1 =	ssub.s32 @!p0 $0x0, s1;
	[sflag:s0] =	ssyncset.done @!p0 $0x0  }
0x129: {  	[sflag:s0] =	ssyncadd.s32 @!p0 s1  }
0x12a: {  	[bflag:$0x3] =	sbarrier.arrive $0xFFFF  }
0x12b: {  	_ =	shalt  }

</sc_bundles>
